<compile_context>
chip_gen: v7x
topology: tpu7x:2x2x1
jax: 0.10.2.dev20260603
libtpu: 0.0.44.dev20260713+nightly
codegen_flags: <defaults>
</compile_context>

<pallas_src>
import jax
import jax.numpy as jnp
from jax import lax
from jax.experimental import pallas as pl
from jax.experimental.pallas import tpu as pltpu
from jax.experimental.pallas import tpu_sc as plsc

N_USERS = 4096
N_ITEMS = 1000
H = 12
A = 1 << H
R = 512
NW = 32
UPW = N_USERS // NW
G = 16
NG = UPW // G


def _eb_body(dist_ref, eb_ref):
    dist = dist_ref[...]
    k_ids = lax.broadcasted_iota(jnp.int32, (A, 128), 0)
    j_ids = jnp.minimum(lax.broadcasted_iota(jnp.int32, (A, 128), 1), 31)
    bitmat = ((k_ids >> j_ids) & 1).astype(jnp.float32)
    eb = jnp.dot(dist, bitmat, preferred_element_type=jnp.float32)
    eb_ref[...] = eb[:, :16]


def _sc_body(eb_hbm, hist_hbm, o_hbm, eb_v, hist_v, obuf):
    wid = lax.axis_index("s") * 2 + lax.axis_index("c")
    base = wid * UPW
    pltpu.sync_copy(eb_hbm.at[pl.ds(base, UPW), :], eb_v)
    pltpu.sync_copy(hist_hbm.at[pl.ds(base, UPW), :], hist_v)

    zf = jnp.zeros((G,), jnp.float32)
    rows = lax.broadcasted_iota(jnp.int32, (G,), 0)

    def zero_row(u, carry):
        def zero_chunk(i, c2):
            obuf[u, pl.ds(jnp.minimum(i * 16, N_ITEMS - 16), 16)] = zf
            return c2
        return lax.fori_loop(0, N_ITEMS // 16 + 1, zero_chunk, carry)

    lax.fori_loop(0, G, zero_row, 0)

    def group(g, carry):
        urows = g * G + rows

        def hcol(j):
            return plsc.load_gather(hist_v, [urows, jnp.full((G,), j, jnp.int32)])

        for j in range(H):
            col = hcol(j)
            val = plsc.load_gather(eb_v, [urows, jnp.full((G,), j, jnp.int32)])
            plsc.addupdate_scatter(obuf, [rows, col], val)
        pltpu.sync_copy(obuf, o_hbm.at[pl.ds(base + g * G, G), :])
        for j in range(H):
            plsc.store_scatter(obuf, [rows, hcol(j)], zf)
        return carry

    lax.fori_loop(0, NG, group, 0)


def _act_body(o_ref, act_ref, num_ref):
    o = o_ref[...]
    act = o > 0.5
    act_ref[...] = act
    pw = (1 << lax.broadcasted_iota(jnp.int32, (R, H), 1)).astype(jnp.int32)
    num_ref[...] = jnp.sum(act[:, :H].astype(jnp.int32) * pw, axis=1)


def _make_sc_call(interpret=False):
    mesh = plsc.VectorSubcoreMesh(
        core_axis_name="c", subcore_axis_name="s", num_cores=2, num_subcores=16
    )
    return pl.kernel(
        _sc_body,
        out_type=jax.ShapeDtypeStruct((N_USERS, N_ITEMS), jnp.float32),
        mesh=mesh,
        scratch_types=[
            pltpu.VMEM((UPW, 16), jnp.float32),
            pltpu.VMEM((UPW, H), jnp.int32),
            pltpu.VMEM((G, N_ITEMS), jnp.float32),
        ],
        compiler_params=pltpu.CompilerParams(needs_layout_passes=False),
        interpret=interpret,
    )


def kernel(distribution, history):
    hist = history.astype(jnp.int32)
    eb = pl.pallas_call(
        _eb_body,
        grid=(N_USERS // R,),
        in_specs=[pl.BlockSpec((R, A), lambda i: (i, 0))],
        out_specs=pl.BlockSpec((R, 16), lambda i: (i, 0)),
        out_shape=jax.ShapeDtypeStruct((N_USERS, 16), jnp.float32),
    )(distribution)
    o = _make_sc_call()(eb, hist)
    act, num = pl.pallas_call(
        _act_body,
        grid=(N_USERS // R,),
        in_specs=[pl.BlockSpec((R, N_ITEMS), lambda i: (i, 0))],
        out_specs=[
            pl.BlockSpec((R, N_ITEMS), lambda i: (i, 0)),
            pl.BlockSpec((R,), lambda i: (i,)),
        ],
        out_shape=[
            jax.ShapeDtypeStruct((N_USERS, N_ITEMS), jnp.bool_),
            jax.ShapeDtypeStruct((N_USERS,), jnp.int32),
        ],
    )(o)
    return (o, act, num)

# --- scband reference (transcript-rebuilt; emitter-appended) ---
"""Pipeline reference for scband-game-distribution-8126078124042 (READ-ONLY COPY).

The authoritative reference and input builder live on the scoring server;
editing this copy changes nothing except your own understanding.
"""

import jax, jax.numpy as jnp
import numpy as np

N_USERS = 4096
N_ITEMS = 1000
H = 12
A = 2 ** H  # action_len per user (all users identical, = max_action)
S = 0.9


def setup_inputs(seed: int = 0) -> dict:
    key = jax.random.key(seed)
    k1, k2 = jax.random.split(key)
    # history[i, j]: item id touched at history slot j for user i
    history = jax.random.randint(k1, (N_USERS, H), 0, N_ITEMS, dtype=jnp.int64)
    # init_distribution with method != 'greedy' and distribution_type == 2:
    #   distribution[i, j] = s^popcount(j) * (1-s)^(history_len[i] - popcount(j))
    j = jnp.arange(A)
    bits = (j[:, None] >> jnp.arange(H)[None, :]) & 1  # [A, H]
    cnt = bits.sum(axis=1)
    dist_row = (S ** cnt.astype(jnp.float32)) * ((1.0 - S) ** (H - cnt).astype(jnp.float32))
    distribution = jnp.tile(dist_row.astype(jnp.float32)[None, :], (N_USERS, 1))  # [N_USERS, A]
    return {"distribution": distribution, "history": history}


def reference(distribution, history):
    # get_action_by_distribution with action_type == 3, vectorized.
    # Torch loop: o[i, history[i][j]] += distribution[i][k] for every action k whose bit j is set.
    # sum_{k: bit_j(k)=1} distribution[i,k] == (distribution @ bitmat)[i, j]
    n_users, A_ = distribution.shape
    H_ = history.shape[1]
    bitmat = (((jnp.arange(A_)[:, None] >> jnp.arange(H_)[None, :]) & 1)).astype(jnp.float32)  # [A, H]
    expected_bits = distribution @ bitmat  # [N_USERS, H]
    rows = jnp.arange(n_users)[:, None]  # [N_USERS, 1]
    # scatter-add into the big [n_users, n_items] memory (duplicate history ids accumulate, as in torch)
    o = jnp.zeros((n_users, N_ITEMS), dtype=jnp.float32).at[rows, history].add(expected_bits)
    action = o > 0.5  # bool action memory
    # act = sum_j (action[i, j] != 0) * 2^j over the first H columns (faithful to the torch indexing)
    pw = (2 ** jnp.arange(H_)).astype(jnp.int32)
    action_num = (action[:, :H_].astype(jnp.int32) * pw[None, :]).sum(axis=1)
    return (o, action, action_num)

if __name__ == "__main__":
    import jax
    _d = setup_inputs()
    print(jax.jit(kernel)(*tuple(_d.values())))

</pallas_src>

<mosaic_0001>
#map = affine_map<(d0, d1) -> (0, 0)>
module attributes {stable_mosaic.version = 14 : i64} {
  func.func @_sc_body(%arg0: i32, %arg1: i32, %arg2: memref<4096x16xf32, #tpu.memory_space<hbm>>, %arg3: memref<4096x12xi32, #tpu.memory_space<hbm>>, %arg4: memref<4096x1000xf32, #tpu.memory_space<hbm>>, %arg5: memref<128x16xf32, #tpu.memory_space<vmem>>, %arg6: memref<128x12xi32, #tpu.memory_space<vmem>>, %arg7: memref<16x1000xf32, #tpu.memory_space<vmem>>) attributes {dimension_semantics = [#tpu.dimension_semantics<core_parallel>, #tpu.dimension_semantics<subcore_parallel>], iteration_bounds = array<i64: 2, 16>, scalar_prefetch = 0 : i64, scratch_operands = 3 : i64, tpu.core_type = #tpu.core_type<sc_vector_subcore>, window_params = [{transform_indices = #map}, {transform_indices = #map}, {transform_indices = #map}]} {
    %mul3A = arith.constant 2 : i32
    %mul3A_0 = arith.muli %arg1, %mul3A : i32
    %add3A = arith.addi %mul3A_0, %arg0 : i32
    %mul3A_1 = arith.constant 128 : i32
    %mul3A_2 = arith.muli %add3A, %mul3A_1 : i32
    "tpu.region"() ({
      %run_scoped3A = tpu.sem_alloc : memref<!tpu.dma_semaphore, #tpu.memory_space<semaphore_mem>>
      %dma_start3A = arith.constant 0 : i32
      %dma_start3A_15 = tpu.memref_slice %arg2[%mul3A_2, %dma_start3A] : memref<4096x16xf32, #tpu.memory_space<hbm>> -> memref<128x16xf32, #tpu.memory_space<hbm>>
      %dma_start3A_16 = arith.constant 0 : i32
      %dma_start3A_17 = tpu.memref_slice %arg2[%mul3A_2, %dma_start3A_16] : memref<4096x16xf32, #tpu.memory_space<hbm>> -> memref<128x16xf32, #tpu.memory_space<hbm>>
      tpu.enqueue_dma source(%dma_start3A_17 : memref<128x16xf32, #tpu.memory_space<hbm>>) target(%arg5 : memref<128x16xf32, #tpu.memory_space<vmem>>) target_semaphore(%run_scoped3A : memref<!tpu.dma_semaphore, #tpu.memory_space<semaphore_mem>>)
      %dma_wait3A = arith.constant 0 : i32
      %dma_wait3A_18 = tpu.memref_slice %arg2[%mul3A_2, %dma_wait3A] : memref<4096x16xf32, #tpu.memory_space<hbm>> -> memref<128x16xf32, #tpu.memory_space<hbm>>
      %dma_wait3A_19 = arith.constant 0 : i32
      %dma_wait3A_20 = tpu.memref_slice %arg2[%mul3A_2, %dma_wait3A_19] : memref<4096x16xf32, #tpu.memory_space<hbm>> -> memref<128x16xf32, #tpu.memory_space<hbm>>
      tpu.wait_dma2 semaphore(%run_scoped3A : memref<!tpu.dma_semaphore, #tpu.memory_space<semaphore_mem>>) src(%dma_wait3A_20 : memref<128x16xf32, #tpu.memory_space<hbm>>) dst(%arg5 : memref<128x16xf32, #tpu.memory_space<vmem>>)
      tpu.yield
    }) : () -> ()
    "tpu.region"() ({
      %run_scoped3A = tpu.sem_alloc : memref<!tpu.dma_semaphore, #tpu.memory_space<semaphore_mem>>
      %dma_start3A = arith.constant 0 : i32
      %dma_start3A_15 = tpu.memref_slice %arg3[%mul3A_2, %dma_start3A] : memref<4096x12xi32, #tpu.memory_space<hbm>> -> memref<128x12xi32, #tpu.memory_space<hbm>>
      %dma_start3A_16 = arith.constant 0 : i32
      %dma_start3A_17 = tpu.memref_slice %arg3[%mul3A_2, %dma_start3A_16] : memref<4096x12xi32, #tpu.memory_space<hbm>> -> memref<128x12xi32, #tpu.memory_space<hbm>>
      tpu.enqueue_dma source(%dma_start3A_17 : memref<128x12xi32, #tpu.memory_space<hbm>>) target(%arg6 : memref<128x12xi32, #tpu.memory_space<vmem>>) target_semaphore(%run_scoped3A : memref<!tpu.dma_semaphore, #tpu.memory_space<semaphore_mem>>)
      %dma_wait3A = arith.constant 0 : i32
      %dma_wait3A_18 = tpu.memref_slice %arg3[%mul3A_2, %dma_wait3A] : memref<4096x12xi32, #tpu.memory_space<hbm>> -> memref<128x12xi32, #tpu.memory_space<hbm>>
      %dma_wait3A_19 = arith.constant 0 : i32
      %dma_wait3A_20 = tpu.memref_slice %arg3[%mul3A_2, %dma_wait3A_19] : memref<4096x12xi32, #tpu.memory_space<hbm>> -> memref<128x12xi32, #tpu.memory_space<hbm>>
      tpu.wait_dma2 semaphore(%run_scoped3A : memref<!tpu.dma_semaphore, #tpu.memory_space<semaphore_mem>>) src(%dma_wait3A_20 : memref<128x12xi32, #tpu.memory_space<hbm>>) dst(%arg6 : memref<128x12xi32, #tpu.memory_space<vmem>>)
      tpu.yield
    }) : () -> ()
    %broadcast_in_dim3A = arith.constant 0.000000e+00 : f32
    %broadcast_in_dim3A_3 = vector.broadcast %broadcast_in_dim3A : f32 to vector<16xf32>
    %iota3A = tpu.iota {dimensions = array<i32: 0>} : vector<16xi32>
    %scan3A = arith.constant 0 : i32
    %scan3A_4 = arith.constant 0 : i32
    %scan3A_5 = arith.constant 16 : i32
    %scan3A_6 = arith.addi %scan3A_4, %scan3A_5 : i32
    %scan3A_7 = arith.constant 1 : i32
    scf.for %scan3A_15 = %scan3A_4 to %scan3A_6 step %scan3A_7  : i32 {
      %scan3A_16 = arith.constant 0 : i32
      %scan3A_17 = arith.constant 63 : i32
      %scan3A_18 = arith.addi %scan3A_16, %scan3A_17 : i32
      %scan3A_19 = arith.constant 1 : i32
      scf.for %scan3A_21 = %scan3A_16 to %scan3A_18 step %scan3A_19  : i32 {
        %mul3A_22 = arith.constant 16 : i32
        %mul3A_23 = arith.muli %scan3A_21, %mul3A_22 : i32
        %min3A = arith.constant 984 : i32
        %min3A_24 = arith.minsi %mul3A_23, %min3A : i32
        %swap3A = arith.index_cast %scan3A_15 : i32 to index
        %swap3A_25 = arith.index_cast %min3A_24 : i32 to index
        %swap3A_26 = tpu.vector_load %arg7[%swap3A, %swap3A_25] {strides = array<i32>} : memref<16x1000xf32, #tpu.memory_space<vmem>>, vector<16xf32>,
        tpu.vector_store %arg7[%swap3A, %swap3A_25], %broadcast_in_dim3A_3 {strides = array<i32>} : memref<16x1000xf32, #tpu.memory_space<vmem>>, vector<16xf32>,
      }
      %scan3A_20 = arith.constant 63 : i32
    }
    %scan3A_8 = arith.constant 16 : i32
    %scan3A_9 = arith.constant 0 : i32
    %scan3A_10 = arith.constant 0 : i32
    %scan3A_11 = arith.constant 8 : i32
    %scan3A_12 = arith.addi %scan3A_10, %scan3A_11 : i32
    %scan3A_13 = arith.constant 1 : i32
    scf.for %scan3A_15 = %scan3A_10 to %scan3A_12 step %scan3A_13  : i32 {
      %mul3A_16 = arith.constant 16 : i32
      %mul3A_17 = arith.muli %scan3A_15, %mul3A_16 : i32
      %add3A_18 = vector.broadcast %mul3A_17 : i32 to vector<16xi32>
      %add3A_19 = arith.addi %add3A_18, %iota3A : vector<16xi32>
      %broadcast_in_dim3A_20 = arith.constant 0 : i32
      %broadcast_in_dim3A_21 = vector.broadcast %broadcast_in_dim3A_20 : i32 to vector<16xi32>
      %gather3A = tpu.vector_load_idx %arg6[%add3A_19, %broadcast_in_dim3A_21] : memref<128x12xi32, #tpu.memory_space<vmem>>[vector<16xi32>, vector<16xi32>], vector<16xi32>,
      %broadcast_in_dim3A_22 = arith.constant 0 : i32
      %broadcast_in_dim3A_23 = vector.broadcast %broadcast_in_dim3A_22 : i32 to vector<16xi32>
      %gather3A_24 = tpu.vector_load_idx %arg5[%add3A_19, %broadcast_in_dim3A_23] : memref<128x16xf32, #tpu.memory_space<vmem>>[vector<16xi32>, vector<16xi32>], vector<16xf32>,
      tpu.vector_store_idx %arg7[%iota3A, %gather3A], %gather3A_24 {add = true} : memref<16x1000xf32, #tpu.memory_space<vmem>>[vector<16xi32>, vector<16xi32>], vector<16xf32>,
      %broadcast_in_dim3A_25 = arith.constant 1 : i32
      %broadcast_in_dim3A_26 = vector.broadcast %broadcast_in_dim3A_25 : i32 to vector<16xi32>
      %gather3A_27 = tpu.vector_load_idx %arg6[%add3A_19, %broadcast_in_dim3A_26] : memref<128x12xi32, #tpu.memory_space<vmem>>[vector<16xi32>, vector<16xi32>], vector<16xi32>,
      %broadcast_in_dim3A_28 = arith.constant 1 : i32
      %broadcast_in_dim3A_29 = vector.broadcast %broadcast_in_dim3A_28 : i32 to vector<16xi32>
      %gather3A_30 = tpu.vector_load_idx %arg5[%add3A_19, %broadcast_in_dim3A_29] : memref<128x16xf32, #tpu.memory_space<vmem>>[vector<16xi32>, vector<16xi32>], vector<16xf32>,
      tpu.vector_store_idx %arg7[%iota3A, %gather3A_27], %gather3A_30 {add = true} : memref<16x1000xf32, #tpu.memory_space<vmem>>[vector<16xi32>, vector<16xi32>], vector<16xf32>,
      %broadcast_in_dim3A_31 = arith.constant 2 : i32
      %broadcast_in_dim3A_32 = vector.broadcast %broadcast_in_dim3A_31 : i32 to vector<16xi32>
      %gather3A_33 = tpu.vector_load_idx %arg6[%add3A_19, %broadcast_in_dim3A_32] : memref<128x12xi32, #tpu.memory_space<vmem>>[vector<16xi32>, vector<16xi32>], vector<16xi32>,
      %broadcast_in_dim3A_34 = arith.constant 2 : i32
      %broadcast_in_dim3A_35 = vector.broadcast %broadcast_in_dim3A_34 : i32 to vector<16xi32>
      %gather3A_36 = tpu.vector_load_idx %arg5[%add3A_19, %broadcast_in_dim3A_35] : memref<128x16xf32, #tpu.memory_space<vmem>>[vector<16xi32>, vector<16xi32>], vector<16xf32>,
      tpu.vector_store_idx %arg7[%iota3A, %gather3A_33], %gather3A_36 {add = true} : memref<16x1000xf32, #tpu.memory_space<vmem>>[vector<16xi32>, vector<16xi32>], vector<16xf32>,
      %broadcast_in_dim3A_37 = arith.constant 3 : i32
      %broadcast_in_dim3A_38 = vector.broadcast %broadcast_in_dim3A_37 : i32 to vector<16xi32>
      %gather3A_39 = tpu.vector_load_idx %arg6[%add3A_19, %broadcast_in_dim3A_38] : memref<128x12xi32, #tpu.memory_space<vmem>>[vector<16xi32>, vector<16xi32>], vector<16xi32>,
      %broadcast_in_dim3A_40 = arith.constant 3 : i32
      %broadcast_in_dim3A_41 = vector.broadcast %broadcast_in_dim3A_40 : i32 to vector<16xi32>
      %gather3A_42 = tpu.vector_load_idx %arg5[%add3A_19, %broadcast_in_dim3A_41] : memref<128x16xf32, #tpu.memory_space<vmem>>[vector<16xi32>, vector<16xi32>], vector<16xf32>,
      tpu.vector_store_idx %arg7[%iota3A, %gather3A_39], %gather3A_42 {add = true} : memref<16x1000xf32, #tpu.memory_space<vmem>>[vector<16xi32>, vector<16xi32>], vector<16xf32>,
      %broadcast_in_dim3A_43 = arith.constant 4 : i32
      %broadcast_in_dim3A_44 = vector.broadcast %broadcast_in_dim3A_43 : i32 to vector<16xi32>
      %gather3A_45 = tpu.vector_load_idx %arg6[%add3A_19, %broadcast_in_dim3A_44] : memref<128x12xi32, #tpu.memory_space<vmem>>[vector<16xi32>, vector<16xi32>], vector<16xi32>,
      %broadcast_in_dim3A_46 = arith.constant 4 : i32
      %broadcast_in_dim3A_47 = vector.broadcast %broadcast_in_dim3A_46 : i32 to vector<16xi32>
      %gather3A_48 = tpu.vector_load_idx %arg5[%add3A_19, %broadcast_in_dim3A_47] : memref<128x16xf32, #tpu.memory_space<vmem>>[vector<16xi32>, vector<16xi32>], vector<16xf32>,
      tpu.vector_store_idx %arg7[%iota3A, %gather3A_45], %gather3A_48 {add = true} : memref<16x1000xf32, #tpu.memory_space<vmem>>[vector<16xi32>, vector<16xi32>], vector<16xf32>,
      %broadcast_in_dim3A_49 = arith.constant 5 : i32
      %broadcast_in_dim3A_50 = vector.broadcast %broadcast_in_dim3A_49 : i32 to vector<16xi32>
      %gather3A_51 = tpu.vector_load_idx %arg6[%add3A_19, %broadcast_in_dim3A_50] : memref<128x12xi32, #tpu.memory_space<vmem>>[vector<16xi32>, vector<16xi32>], vector<16xi32>,
      %broadcast_in_dim3A_52 = arith.constant 5 : i32
      %broadcast_in_dim3A_53 = vector.broadcast %broadcast_in_dim3A_52 : i32 to vector<16xi32>
      %gather3A_54 = tpu.vector_load_idx %arg5[%add3A_19, %broadcast_in_dim3A_53] : memref<128x16xf32, #tpu.memory_space<vmem>>[vector<16xi32>, vector<16xi32>], vector<16xf32>,
      tpu.vector_store_idx %arg7[%iota3A, %gather3A_51], %gather3A_54 {add = true} : memref<16x1000xf32, #tpu.memory_space<vmem>>[vector<16xi32>, vector<16xi32>], vector<16xf32>,
      %broadcast_in_dim3A_55 = arith.constant 6 : i32
      %broadcast_in_dim3A_56 = vector.broadcast %broadcast_in_dim3A_55 : i32 to vector<16xi32>
      %gather3A_57 = tpu.vector_load_idx %arg6[%add3A_19, %broadcast_in_dim3A_56] : memref<128x12xi32, #tpu.memory_space<vmem>>[vector<16xi32>, vector<16xi32>], vector<16xi32>,
      %broadcast_in_dim3A_58 = arith.constant 6 : i32
      %broadcast_in_dim3A_59 = vector.broadcast %broadcast_in_dim3A_58 : i32 to vector<16xi32>
      %gather3A_60 = tpu.vector_load_idx %arg5[%add3A_19, %broadcast_in_dim3A_59] : memref<128x16xf32, #tpu.memory_space<vmem>>[vector<16xi32>, vector<16xi32>], vector<16xf32>,
      tpu.vector_store_idx %arg7[%iota3A, %gather3A_57], %gather3A_60 {add = true} : memref<16x1000xf32, #tpu.memory_space<vmem>>[vector<16xi32>, vector<16xi32>], vector<16xf32>,
      %broadcast_in_dim3A_61 = arith.constant 7 : i32
      %broadcast_in_dim3A_62 = vector.broadcast %broadcast_in_dim3A_61 : i32 to vector<16xi32>
      %gather3A_63 = tpu.vector_load_idx %arg6[%add3A_19, %broadcast_in_dim3A_62] : memref<128x12xi32, #tpu.memory_space<vmem>>[vector<16xi32>, vector<16xi32>], vector<16xi32>,
      %broadcast_in_dim3A_64 = arith.constant 7 : i32
      %broadcast_in_dim3A_65 = vector.broadcast %broadcast_in_dim3A_64 : i32 to vector<16xi32>
      %gather3A_66 = tpu.vector_load_idx %arg5[%add3A_19, %broadcast_in_dim3A_65] : memref<128x16xf32, #tpu.memory_space<vmem>>[vector<16xi32>, vector<16xi32>], vector<16xf32>,
      tpu.vector_store_idx %arg7[%iota3A, %gather3A_63], %gather3A_66 {add = true} : memref<16x1000xf32, #tpu.memory_space<vmem>>[vector<16xi32>, vector<16xi32>], vector<16xf32>,
      %broadcast_in_dim3A_67 = arith.constant 8 : i32
      %broadcast_in_dim3A_68 = vector.broadcast %broadcast_in_dim3A_67 : i32 to vector<16xi32>
      %gather3A_69 = tpu.vector_load_idx %arg6[%add3A_19, %broadcast_in_dim3A_68] : memref<128x12xi32, #tpu.memory_space<vmem>>[vector<16xi32>, vector<16xi32>], vector<16xi32>,
      %broadcast_in_dim3A_70 = arith.constant 8 : i32
      %broadcast_in_dim3A_71 = vector.broadcast %broadcast_in_dim3A_70 : i32 to vector<16xi32>
      %gather3A_72 = tpu.vector_load_idx %arg5[%add3A_19, %broadcast_in_dim3A_71] : memref<128x16xf32, #tpu.memory_space<vmem>>[vector<16xi32>, vector<16xi32>], vector<16xf32>,
      tpu.vector_store_idx %arg7[%iota3A, %gather3A_69], %gather3A_72 {add = true} : memref<16x1000xf32, #tpu.memory_space<vmem>>[vector<16xi32>, vector<16xi32>], vector<16xf32>,
      %broadcast_in_dim3A_73 = arith.constant 9 : i32
      %broadcast_in_dim3A_74 = vector.broadcast %broadcast_in_dim3A_73 : i32 to vector<16xi32>
      %gather3A_75 = tpu.vector_load_idx %arg6[%add3A_19, %broadcast_in_dim3A_74] : memref<128x12xi32, #tpu.memory_space<vmem>>[vector<16xi32>, vector<16xi32>], vector<16xi32>,
      %broadcast_in_dim3A_76 = arith.constant 9 : i32
      %broadcast_in_dim3A_77 = vector.broadcast %broadcast_in_dim3A_76 : i32 to vector<16xi32>
      %gather3A_78 = tpu.vector_load_idx %arg5[%add3A_19, %broadcast_in_dim3A_77] : memref<128x16xf32, #tpu.memory_space<vmem>>[vector<16xi32>, vector<16xi32>], vector<16xf32>,
      tpu.vector_store_idx %arg7[%iota3A, %gather3A_75], %gather3A_78 {add = true} : memref<16x1000xf32, #tpu.memory_space<vmem>>[vector<16xi32>, vector<16xi32>], vector<16xf32>,
      %broadcast_in_dim3A_79 = arith.constant 10 : i32
      %broadcast_in_dim3A_80 = vector.broadcast %broadcast_in_dim3A_79 : i32 to vector<16xi32>
      %gather3A_81 = tpu.vector_load_idx %arg6[%add3A_19, %broadcast_in_dim3A_80] : memref<128x12xi32, #tpu.memory_space<vmem>>[vector<16xi32>, vector<16xi32>], vector<16xi32>,
      %broadcast_in_dim3A_82 = arith.constant 10 : i32
      %broadcast_in_dim3A_83 = vector.broadcast %broadcast_in_dim3A_82 : i32 to vector<16xi32>
      %gather3A_84 = tpu.vector_load_idx %arg5[%add3A_19, %broadcast_in_dim3A_83] : memref<128x16xf32, #tpu.memory_space<vmem>>[vector<16xi32>, vector<16xi32>], vector<16xf32>,
      tpu.vector_store_idx %arg7[%iota3A, %gather3A_81], %gather3A_84 {add = true} : memref<16x1000xf32, #tpu.memory_space<vmem>>[vector<16xi32>, vector<16xi32>], vector<16xf32>,
      %broadcast_in_dim3A_85 = arith.constant 11 : i32
      %broadcast_in_dim3A_86 = vector.broadcast %broadcast_in_dim3A_85 : i32 to vector<16xi32>
      %gather3A_87 = tpu.vector_load_idx %arg6[%add3A_19, %broadcast_in_dim3A_86] : memref<128x12xi32, #tpu.memory_space<vmem>>[vector<16xi32>, vector<16xi32>], vector<16xi32>,
      %broadcast_in_dim3A_88 = arith.constant 11 : i32
      %broadcast_in_dim3A_89 = vector.broadcast %broadcast_in_dim3A_88 : i32 to vector<16xi32>
      %gather3A_90 = tpu.vector_load_idx %arg5[%add3A_19, %broadcast_in_dim3A_89] : memref<128x16xf32, #tpu.memory_space<vmem>>[vector<16xi32>, vector<16xi32>], vector<16xf32>,
      tpu.vector_store_idx %arg7[%iota3A, %gather3A_87], %gather3A_90 {add = true} : memref<16x1000xf32, #tpu.memory_space<vmem>>[vector<16xi32>, vector<16xi32>], vector<16xf32>,
      %mul3A_91 = arith.constant 16 : i32
      %mul3A_92 = arith.muli %scan3A_15, %mul3A_91 : i32
      %add3A_93 = arith.addi %mul3A_2, %mul3A_92 : i32
      "tpu.region"() ({
        %run_scoped3A = tpu.sem_alloc : memref<!tpu.dma_semaphore, #tpu.memory_space<semaphore_mem>>
        %dma_start3A = arith.constant 0 : i32
        %dma_start3A_130 = tpu.memref_slice %arg4[%add3A_93, %dma_start3A] : memref<4096x1000xf32, #tpu.memory_space<hbm>> -> memref<16x1000xf32, #tpu.memory_space<hbm>>
        %dma_start3A_131 = arith.constant 0 : i32
        %dma_start3A_132 = tpu.memref_slice %arg4[%add3A_93, %dma_start3A_131] : memref<4096x1000xf32, #tpu.memory_space<hbm>> -> memref<16x1000xf32, #tpu.memory_space<hbm>>
        tpu.enqueue_dma source(%arg7 : memref<16x1000xf32, #tpu.memory_space<vmem>>) target(%dma_start3A_132 : memref<16x1000xf32, #tpu.memory_space<hbm>>) target_semaphore(%run_scoped3A : memref<!tpu.dma_semaphore, #tpu.memory_space<semaphore_mem>>)
        %dma_wait3A = arith.constant 0 : i32
        %dma_wait3A_133 = tpu.memref_slice %arg4[%add3A_93, %dma_wait3A] : memref<4096x1000xf32, #tpu.memory_space<hbm>> -> memref<16x1000xf32, #tpu.memory_space<hbm>>
        %dma_wait3A_134 = arith.constant 0 : i32
        %dma_wait3A_135 = tpu.memref_slice %arg4[%add3A_93, %dma_wait3A_134] : memref<4096x1000xf32, #tpu.memory_space<hbm>> -> memref<16x1000xf32, #tpu.memory_space<hbm>>
        tpu.wait_dma2 semaphore(%run_scoped3A : memref<!tpu.dma_semaphore, #tpu.memory_space<semaphore_mem>>) src(%arg7 : memref<16x1000xf32, #tpu.memory_space<vmem>>) dst(%dma_wait3A_135 : memref<16x1000xf32, #tpu.memory_space<hbm>>)
        tpu.yield
      }) : () -> ()
      %broadcast_in_dim3A_94 = arith.constant 0 : i32
      %broadcast_in_dim3A_95 = vector.broadcast %broadcast_in_dim3A_94 : i32 to vector<16xi32>
      %gather3A_96 = tpu.vector_load_idx %arg6[%add3A_19, %broadcast_in_dim3A_95] : memref<128x12xi32, #tpu.memory_space<vmem>>[vector<16xi32>, vector<16xi32>], vector<16xi32>,
      tpu.vector_store_idx %arg7[%iota3A, %gather3A_96], %broadcast_in_dim3A_3 : memref<16x1000xf32, #tpu.memory_space<vmem>>[vector<16xi32>, vector<16xi32>], vector<16xf32>,
      %broadcast_in_dim3A_97 = arith.constant 1 : i32
      %broadcast_in_dim3A_98 = vector.broadcast %broadcast_in_dim3A_97 : i32 to vector<16xi32>
      %gather3A_99 = tpu.vector_load_idx %arg6[%add3A_19, %broadcast_in_dim3A_98] : memref<128x12xi32, #tpu.memory_space<vmem>>[vector<16xi32>, vector<16xi32>], vector<16xi32>,
      tpu.vector_store_idx %arg7[%iota3A, %gather3A_99], %broadcast_in_dim3A_3 : memref<16x1000xf32, #tpu.memory_space<vmem>>[vector<16xi32>, vector<16xi32>], vector<16xf32>,
      %broadcast_in_dim3A_100 = arith.constant 2 : i32
      %broadcast_in_dim3A_101 = vector.broadcast %broadcast_in_dim3A_100 : i32 to vector<16xi32>
      %gather3A_102 = tpu.vector_load_idx %arg6[%add3A_19, %broadcast_in_dim3A_101] : memref<128x12xi32, #tpu.memory_space<vmem>>[vector<16xi32>, vector<16xi32>], vector<16xi32>,
      tpu.vector_store_idx %arg7[%iota3A, %gather3A_102], %broadcast_in_dim3A_3 : memref<16x1000xf32, #tpu.memory_space<vmem>>[vector<16xi32>, vector<16xi32>], vector<16xf32>,
      %broadcast_in_dim3A_103 = arith.constant 3 : i32
      %broadcast_in_dim3A_104 = vector.broadcast %broadcast_in_dim3A_103 : i32 to vector<16xi32>
      %gather3A_105 = tpu.vector_load_idx %arg6[%add3A_19, %broadcast_in_dim3A_104] : memref<128x12xi32, #tpu.memory_space<vmem>>[vector<16xi32>, vector<16xi32>], vector<16xi32>,
      tpu.vector_store_idx %arg7[%iota3A, %gather3A_105], %broadcast_in_dim3A_3 : memref<16x1000xf32, #tpu.memory_space<vmem>>[vector<16xi32>, vector<16xi32>], vector<16xf32>,
      %broadcast_in_dim3A_106 = arith.constant 4 : i32
      %broadcast_in_dim3A_107 = vector.broadcast %broadcast_in_dim3A_106 : i32 to vector<16xi32>
      %gather3A_108 = tpu.vector_load_idx %arg6[%add3A_19, %broadcast_in_dim3A_107] : memref<128x12xi32, #tpu.memory_space<vmem>>[vector<16xi32>, vector<16xi32>], vector<16xi32>,
      tpu.vector_store_idx %arg7[%iota3A, %gather3A_108], %broadcast_in_dim3A_3 : memref<16x1000xf32, #tpu.memory_space<vmem>>[vector<16xi32>, vector<16xi32>], vector<16xf32>,
      %broadcast_in_dim3A_109 = arith.constant 5 : i32
      %broadcast_in_dim3A_110 = vector.broadcast %broadcast_in_dim3A_109 : i32 to vector<16xi32>
      %gather3A_111 = tpu.vector_load_idx %arg6[%add3A_19, %broadcast_in_dim3A_110] : memref<128x12xi32, #tpu.memory_space<vmem>>[vector<16xi32>, vector<16xi32>], vector<16xi32>,
      tpu.vector_store_idx %arg7[%iota3A, %gather3A_111], %broadcast_in_dim3A_3 : memref<16x1000xf32, #tpu.memory_space<vmem>>[vector<16xi32>, vector<16xi32>], vector<16xf32>,
      %broadcast_in_dim3A_112 = arith.constant 6 : i32
      %broadcast_in_dim3A_113 = vector.broadcast %broadcast_in_dim3A_112 : i32 to vector<16xi32>
      %gather3A_114 = tpu.vector_load_idx %arg6[%add3A_19, %broadcast_in_dim3A_113] : memref<128x12xi32, #tpu.memory_space<vmem>>[vector<16xi32>, vector<16xi32>], vector<16xi32>,
      tpu.vector_store_idx %arg7[%iota3A, %gather3A_114], %broadcast_in_dim3A_3 : memref<16x1000xf32, #tpu.memory_space<vmem>>[vector<16xi32>, vector<16xi32>], vector<16xf32>,
      %broadcast_in_dim3A_115 = arith.constant 7 : i32
      %broadcast_in_dim3A_116 = vector.broadcast %broadcast_in_dim3A_115 : i32 to vector<16xi32>
      %gather3A_117 = tpu.vector_load_idx %arg6[%add3A_19, %broadcast_in_dim3A_116] : memref<128x12xi32, #tpu.memory_space<vmem>>[vector<16xi32>, vector<16xi32>], vector<16xi32>,
      tpu.vector_store_idx %arg7[%iota3A, %gather3A_117], %broadcast_in_dim3A_3 : memref<16x1000xf32, #tpu.memory_space<vmem>>[vector<16xi32>, vector<16xi32>], vector<16xf32>,
      %broadcast_in_dim3A_118 = arith.constant 8 : i32
      %broadcast_in_dim3A_119 = vector.broadcast %broadcast_in_dim3A_118 : i32 to vector<16xi32>
      %gather3A_120 = tpu.vector_load_idx %arg6[%add3A_19, %broadcast_in_dim3A_119] : memref<128x12xi32, #tpu.memory_space<vmem>>[vector<16xi32>, vector<16xi32>], vector<16xi32>,
      tpu.vector_store_idx %arg7[%iota3A, %gather3A_120], %broadcast_in_dim3A_3 : memref<16x1000xf32, #tpu.memory_space<vmem>>[vector<16xi32>, vector<16xi32>], vector<16xf32>,
      %broadcast_in_dim3A_121 = arith.constant 9 : i32
      %broadcast_in_dim3A_122 = vector.broadcast %broadcast_in_dim3A_121 : i32 to vector<16xi32>
      %gather3A_123 = tpu.vector_load_idx %arg6[%add3A_19, %broadcast_in_dim3A_122] : memref<128x12xi32, #tpu.memory_space<vmem>>[vector<16xi32>, vector<16xi32>], vector<16xi32>,
      tpu.vector_store_idx %arg7[%iota3A, %gather3A_123], %broadcast_in_dim3A_3 : memref<16x1000xf32, #tpu.memory_space<vmem>>[vector<16xi32>, vector<16xi32>], vector<16xf32>,
      %broadcast_in_dim3A_124 = arith.constant 10 : i32
      %broadcast_in_dim3A_125 = vector.broadcast %broadcast_in_dim3A_124 : i32 to vector<16xi32>
      %gather3A_126 = tpu.vector_load_idx %arg6[%add3A_19, %broadcast_in_dim3A_125] : memref<128x12xi32, #tpu.memory_space<vmem>>[vector<16xi32>, vector<16xi32>], vector<16xi32>,
      tpu.vector_store_idx %arg7[%iota3A, %gather3A_126], %broadcast_in_dim3A_3 : memref<16x1000xf32, #tpu.memory_space<vmem>>[vector<16xi32>, vector<16xi32>], vector<16xf32>,
      %broadcast_in_dim3A_127 = arith.constant 11 : i32
      %broadcast_in_dim3A_128 = vector.broadcast %broadcast_in_dim3A_127 : i32 to vector<16xi32>
      %gather3A_129 = tpu.vector_load_idx %arg6[%add3A_19, %broadcast_in_dim3A_128] : memref<128x12xi32, #tpu.memory_space<vmem>>[vector<16xi32>, vector<16xi32>], vector<16xi32>,
      tpu.vector_store_idx %arg7[%iota3A, %gather3A_129], %broadcast_in_dim3A_3 : memref<16x1000xf32, #tpu.memory_space<vmem>>[vector<16xi32>, vector<16xi32>], vector<16xf32>,
    }
    %scan3A_14 = arith.constant 8 : i32
    return
  }
}

module attributes {stable_mosaic.version = 14 : i64} {
  func.func @_act_body(%arg0: i32, %arg1: memref<512x1000xf32, #tpu.memory_space<vmem>>, %arg2: memref<512x1000xi32, #tpu.memory_space<vmem>>, %arg3: memref<512xi32, #tpu.memory_space<vmem>>) attributes {dimension_semantics = [#tpu.dimension_semantics<arbitrary>], iteration_bounds = array<i64: 8>, scalar_prefetch = 0 : i64, scratch_operands = 0 : i64, tpu.core_type = #tpu.core_type<tc>, window_params = [{transform_indices = @transform_0, window_bounds = array<i64: 512, 1000>}, {transform_indices = @transform_1, window_bounds = array<i64: 512, 1000>}, {transform_indices = @transform_2, window_bounds = array<i64: 512>}]} {
    %get3A = arith.constant 0 : index
    %get3A_0 = arith.constant 0 : index
    %get3A_1 = vector.load %arg1[%get3A, %get3A_0] : memref<512x1000xf32, #tpu.memory_space<vmem>>, vector<512x1000xf32>
    %gt3A = arith.constant 5.000000e-01 : f32
    %gt3A_2 = vector.broadcast %gt3A : f32 to vector<512x1000xf32>
    %gt3A_3 = arith.cmpf ogt, %get3A_1, %gt3A_2 : vector<512x1000xf32>
    %swap3A = arith.constant 0 : index
    %swap3A_4 = arith.constant 0 : index
    %swap3A_5 = vector.load %arg2[%swap3A, %swap3A_4] : memref<512x1000xi32, #tpu.memory_space<vmem>>, vector<512x1000xi32>
    %swap3A_6 = arith.extui %gt3A_3 : vector<512x1000xi1> to vector<512x1000xi32>
    %swap3A_7 = arith.constant dense<0> : vector<512x1000xi32>
    %swap3A_8 = arith.cmpi ne, %swap3A_5, %swap3A_7 : vector<512x1000xi32>
    tpu.vector_store %arg2[%swap3A, %swap3A_4], %swap3A_6 {strides = array<i32>} : memref<512x1000xi32, #tpu.memory_space<vmem>>, vector<512x1000xi32>,
    %iota3A = tpu.iota {dimensions = array<i32: 1>} : vector<512x12xi32>
    %shift_left3A = arith.constant 1 : i32
    %shift_left3A_9 = vector.broadcast %shift_left3A : i32 to vector<512x12xi32>
    %shift_left3A_10 = arith.shli %shift_left3A_9, %iota3A : vector<512x12xi32>
    %slice3A = vector.extract_strided_slice %gt3A_3 {offsets = [0, 0], sizes = [512, 12], strides = [1, 1]} : vector<512x1000xi1> to vector<512x12xi1>
    %convert_element_type3A = arith.extui %slice3A : vector<512x12xi1> to vector<512x12xi32>
    %mul3A = arith.muli %convert_element_type3A, %shift_left3A_10 : vector<512x12xi32>
    %reduce_sum3A = arith.constant dense<0> : vector<512xi32>
    %reduce_sum3A_11 = vector.multi_reduction <add>, %mul3A, %reduce_sum3A [1] : vector<512x12xi32> to vector<512xi32>
    %swap3A_12 = arith.constant 0 : index
    %swap3A_13 = vector.load %arg3[%swap3A_12] : memref<512xi32, #tpu.memory_space<vmem>>, vector<512xi32>
    tpu.vector_store %arg3[%swap3A_12], %reduce_sum3A_11 {strides = array<i32>} : memref<512xi32, #tpu.memory_space<vmem>>, vector<512xi32>,
    return
  }
  func.func @transform_0(%arg0: i32) -> (i32, i32) {
    %c0_i32 = arith.constant 0 : i32
    %c0_i32_0 = arith.constant 0 : i32
    return %arg0, %c0_i32 : i32, i32
  }
  func.func @transform_1(%arg0: i32) -> (i32, i32) {
    %c0_i32 = arith.constant 0 : i32
    %c0_i32_0 = arith.constant 0 : i32
    return %arg0, %c0_i32 : i32, i32
  }
  func.func @transform_2(%arg0: i32) -> i32 {
    %c0_i32 = arith.constant 0 : i32
    return %arg0 : i32
  }
}

module attributes {stable_mosaic.version = 14 : i64} {
  func.func @_eb_body(%arg0: i32, %arg1: memref<512x4096xf32, #tpu.memory_space<vmem>>, %arg2: memref<512x16xf32, #tpu.memory_space<vmem>>) attributes {dimension_semantics = [#tpu.dimension_semantics<arbitrary>], iteration_bounds = array<i64: 8>, scalar_prefetch = 0 : i64, scratch_operands = 0 : i64, tpu.core_type = #tpu.core_type<tc>, window_params = [{transform_indices = @transform_0, window_bounds = array<i64: 512, 4096>}, {transform_indices = @transform_1, window_bounds = array<i64: 512, 16>}]} {
    %get3A = arith.constant 0 : index
    %get3A_0 = arith.constant 0 : index
    %get3A_1 = vector.load %arg1[%get3A, %get3A_0] : memref<512x4096xf32, #tpu.memory_space<vmem>>, vector<512x4096xf32>
    %iota3A = tpu.iota {dimensions = array<i32: 0>} : vector<4096x128xi32>
    %iota3A_2 = tpu.iota {dimensions = array<i32: 1>} : vector<4096x128xi32>
    %min3A = arith.constant 31 : i32
    %min3A_3 = vector.broadcast %min3A : i32 to vector<4096x128xi32>
    %min3A_4 = arith.minsi %iota3A_2, %min3A_3 : vector<4096x128xi32>
    %shift_right_arithmetic3A = arith.shrsi %iota3A, %min3A_4 : vector<4096x128xi32>
    %and3A = arith.constant 1 : i32
    %and3A_5 = vector.broadcast %and3A : i32 to vector<4096x128xi32>
    %and3A_6 = arith.andi %shift_right_arithmetic3A, %and3A_5 : vector<4096x128xi32>
    %convert_element_type3A = arith.sitofp %and3A_6 : vector<4096x128xi32> to vector<4096x128xf32>
    %dot_general3A = arith.constant dense<0.000000e+00> : vector<512x128xf32>
    %dot_general3A_7 = tpu.matmul %get3A_1, %convert_element_type3A, %dot_general3A {dimension_numbers = #tpu.dot_dimension_numbers<[1], [0], [0], [1], [0, 0, 1, 1], [], []>, transpose_lhs_hint = false} : vector<512x4096xf32>, vector<4096x128xf32>, vector<512x128xf32> -> vector<512x128xf32>
    %slice3A = vector.extract_strided_slice %dot_general3A_7 {offsets = [0, 0], sizes = [512, 16], strides = [1, 1]} : vector<512x128xf32> to vector<512x16xf32>
    %swap3A = arith.constant 0 : index
    %swap3A_8 = arith.constant 0 : index
    %swap3A_9 = vector.load %arg2[%swap3A, %swap3A_8] : memref<512x16xf32, #tpu.memory_space<vmem>>, vector<512x16xf32>
    tpu.vector_store %arg2[%swap3A, %swap3A_8], %slice3A {strides = array<i32>} : memref<512x16xf32, #tpu.memory_space<vmem>>, vector<512x16xf32>,
    return
  }
  func.func @transform_0(%arg0: i32) -> (i32, i32) {
    %c0_i32 = arith.constant 0 : i32
    %c0_i32_0 = arith.constant 0 : i32
    return %arg0, %c0_i32 : i32, i32
  }
  func.func @transform_1(%arg0: i32) -> (i32, i32) {
    %c0_i32 = arith.constant 0 : i32
    %c0_i32_0 = arith.constant 0 : i32
    return %arg0, %c0_i32 : i32, i32
  }
}

</mosaic_0001>

<sc_bundles>
// kernel: kernel.5.cloned.1.call-start
scs
__scs_entry_jumppad:
0x0: {  	(pc) =	sbr.rel $0x88, $3  }
0x1: {  	(tag) =	ssettag $0x0;
	lr =	simm.s32 $0x1  }
0x2: {  	[smem:$0x3F9F] =	sst lr;
	_ =	strace $0xD0000000  }
0x3: {  	_ = 	snop  }
0x4: {  	_ = 	snop  }
0x5: {  	_ = 	snop  }
0x6: {  	_ = 	snop  }
0x7: {  	_ = 	snop  }
__scs_overlays_trampoline_lowered:
0x8: {  	[smem:$0x3FAE] =	sst s0  }
0x9: {  	[smem:$0x3FAF] =	sst s1  }
0xa: {  	[smem:$0x3FB0] =	sst s2  }
0xb: {  	[smem:$0x3FB1] =	sst s3  }
0xc: {  	[smem:$0x3FB2] =	sst s4  }
0xd: {  	[smem:$0x3FB3] =	sst s5  }
0xe: {  	[smem:$0x3FB4] =	sst s6  }
0xf: {  	[smem:$0x3FB5] =	sst s7  }
0x10: {  	[smem:$0x3FB6] =	sst s8  }
0x11: {  	[smem:$0x3FB7] =	sst s9;
	s0 =	simm.s32 @!p0 $0x0  }
0x12: {  	s1 =	sld [smem:$0x3F9D];
	s0 =	simm.s32 @p0 $0x1  }
0x13: {  	[smem:$0x3FB8] =	sst s0;
	s0 =	simm.s32 @!p1 $0x0  }
0x14: {  	s2 =	sld [smem:$0x3F9C];
	s0 =	simm.s32 @p1 $0x1  }
0x15: {  	[smem:$0x3FB9] =	sst s0;
	s0 =	simm.s32 @!p2 $0x0  }
0x16: {  	s3 =	sld [smem:$0x3FDB];
	s0 =	simm.s32 @p2 $0x1  }
0x17: {  	s4 =	simm.s32 $0x1BF5;
	[smem:$0x3FBB] =	sst s0  }
0x18: {  	s0 =	sld [smem:$0x3F9E];
	_ =	swait.ge [sflag:s4], $0x0  }
0x19: {  	s7 =	sld [smem:$0x3F9F]  }
0x1a: {  	s8 =	sadd.s32 $0xFFFFE003, lr  }
0x1b: {  	s9 =	sadd.s32 $0xFFFFFEF7, lr;
	s5 =	simm.s32 $0xFFFFFFFF;
	p2 =	slt.u32 s8, $0xFFFFF086  }
0x1c: {  	p1 =	slt.u32 s9, $0xF7A;
	s5 =	simm.s32 @!p2 $0x0  }
0x1d: {  	s5 =	simm.s32 @p1 $0x1;
	p0 =	seq.s32 s7, s2  }
0x1e: {  	s7 =	smul.u32 @!p0 $0xF7A, s2;
	p2 =	seq.s32 @!p0 s5, $0x0  }
0x1f: {  	s9 =	smul.u32 $0xF7A, s1;
	s8 =	simm.s32 @!p0 $0x1BF5;
	p2 =	por !p2, p0  }
0x20: {  	[sflag:s8] =	ssyncset.s32 @!p0 $0xFFFFF086;
	s6 =	sadd.s32 @!p0 s3, s7;
	s7 =	simm.s32 @!p0 $0x108  }
0x21: {  	s3 =	sadd.s32 s3, s9;
	s6 =	sadd.s32 @!p0 $0x88, s6;
	s7 =	simm.s32 @p2 $0x1082  }
0x22: {  	[simem:s7], [sflag:s8] =	dma.local @!p0 [hbm:s6], $0xF7A  }
0x23: {  	s9 =	sor.u32 $0xD0000000, s2;
	s6 =	simm.s32 $0x108;
	_ =	swait.ge @!p0 [sflag:s8], $0x0  }
0x24: {  	s3 =	sadd.s32 $0x88, s3;
	s6 =	simm.s32 @!p1 $0x1082;
	[sflag:s4] =	ssyncset.s32 $0xFFFFF086  }
0x25: {  	[simem:s6], [sflag:s4] =	dma.local [hbm:s3], $0xF7A  }
0x26: {  	[smem:$0x3F9F] =	sst s1;
	(tag) =	ssettag s2;
	_ =	strace s9  }
0x27: {  	s1 =	sld [smem:$0x3FAF]  }
0x28: {  	s2 =	sld [smem:$0x3FB0]  }
0x29: {  	s4 =	sld [smem:$0x3FB2]  }
0x2a: {  	p0 =	seq.s32 s5, $0x0;
	s5 =	sld [smem:$0x3FB3]  }
0x2b: {  	s6 =	sld [smem:$0x3FB4]  }
0x2c: {  	s7 =	sld [smem:$0x3FB5]  }
0x2d: {  	s3 =	simm.s32 $0x108;
	s8 =	sld [smem:$0x3FB6]  }
0x2e: {  	s3 =	simm.s32 @!p0 $0x1082;
	s9 =	sld [smem:$0x3FB7]  }
0x2f: {  	lr =	sadd.s32 s0, s3;
	s0 =	sld [smem:$0x3FAE]  }
0x30: {  	s3 =	sld [smem:$0x3FB1]  }
0x31: {  	[smem:$0x3FBA] =	sst s10  }
0x32: {  	s10 =	sld [smem:$0x3FB8];
	_ =	sdelay $0x3  }
0x33: {  	p0 =	seq.s32 s10, $0x1;
	s10 =	sld [smem:$0x3FBA];
	_ =	sdelay $0x3  }
0x34: {  	[smem:$0x3FBA] =	sst s10  }
0x35: {  	s10 =	sld [smem:$0x3FB9];
	_ =	sdelay $0x3  }
0x36: {  	p1 =	seq.s32 s10, $0x1;
	s10 =	sld [smem:$0x3FBA];
	_ =	sdelay $0x3  }
0x37: {  	[smem:$0x3FBA] =	sst s10  }
0x38: {  	s10 =	sld [smem:$0x3FBB]  }
0x39: {  	_ = 	snop;
	(pc) =	sbr.ind lr, $3  }
0x3a: {  	_ = 	snop  }
0x3b: {  	_ = 	snop  }
0x3c: {  	p2 =	seq.s32 s10, $0x1;
	s10 =	sld [smem:$0x3FBA]  }
0x3d: {  	_ =	shalt  }
0x3e: {  	_ =	shalt  }
0x3f: {  	_ =	shalt  }
0x40: {  	_ =	shalt  }
0x41: {  	_ =	shalt  }
0x42: {  	_ =	shalt  }
0x43: {  	_ =	shalt  }
0x44: {  	_ =	shalt  }
0x45: {  	_ =	shalt  }
0x46: {  	_ =	shalt  }
0x47: {  	_ =	shalt  }
0x48: {  	_ =	shalt  }
0x49: {  	_ =	shalt  }
0x4a: {  	_ =	shalt  }
0x4b: {  	_ =	shalt  }
0x4c: {  	_ =	shalt  }
0x4d: {  	_ =	shalt  }
0x4e: {  	_ =	shalt  }
0x4f: {  	_ =	shalt  }
0x50: {  	_ =	shalt  }
0x51: {  	_ =	shalt  }
0x52: {  	_ =	shalt  }
0x53: {  	_ =	shalt  }
0x54: {  	_ =	shalt  }
0x55: {  	_ =	shalt  }
0x56: {  	_ =	shalt  }
0x57: {  	_ =	shalt  }
0x58: {  	_ =	shalt  }
0x59: {  	_ =	shalt  }
0x5a: {  	_ =	shalt  }
0x5b: {  	_ =	shalt  }
0x5c: {  	_ =	shalt  }
0x5d: {  	_ =	shalt  }
0x5e: {  	_ =	shalt  }
0x5f: {  	_ =	shalt  }
0x60: {  	_ =	shalt  }
0x61: {  	_ =	shalt  }
0x62: {  	_ =	shalt  }
0x63: {  	_ =	shalt  }
0x64: {  	_ =	shalt  }
0x65: {  	_ =	shalt  }
0x66: {  	_ =	shalt  }
0x67: {  	_ =	shalt  }
0x68: {  	_ =	shalt  }
0x69: {  	_ =	shalt  }
0x6a: {  	_ =	shalt  }
0x6b: {  	_ =	shalt  }
0x6c: {  	_ =	shalt  }
0x6d: {  	_ =	shalt  }
0x6e: {  	_ =	shalt  }
0x6f: {  	_ =	shalt  }
0x70: {  	_ =	shalt  }
0x71: {  	_ =	shalt  }
0x72: {  	_ =	shalt  }
0x73: {  	_ =	shalt  }
0x74: {  	_ =	shalt  }
0x75: {  	_ =	shalt  }
0x76: {  	_ =	shalt  }
0x77: {  	_ =	shalt  }
0x78: {  	_ =	shalt  }
0x79: {  	_ =	shalt  }
0x7a: {  	_ =	shalt  }
0x7b: {  	_ =	shalt  }
0x7c: {  	_ =	shalt  }
0x7d: {  	_ =	shalt  }
0x7e: {  	_ =	shalt  }
0x7f: {  	_ =	shalt  }
0x80: {  	_ =	shalt  }
0x81: {  	_ =	shalt  }
0x82: {  	_ =	shalt  }
0x83: {  	_ =	shalt  }
0x84: {  	_ =	shalt  }
0x85: {  	_ =	shalt  }
0x86: {  	_ =	shalt  }
0x87: {  	_ =	shalt  }
.Lfunc_end0:
.L_simem_size_0:
called_computation_lowered:
.L_overlay_start_0:
0x88: {  	s2 =	sld [smem:$0x3FD9]  }
0x89: {  	s3 =	sld [smem:$0x3FFE];
	_ =	sdelay $0x1  }
0x8a: {  	s1 =	srdreg.scid  }
0x8b: {  	s0 =	sand.u32 $0x1, s1  }
0x8c: {  	s14 =	sshll.u32 s0, $0xA;
	s2 =	sadd.s32 s3, s2  }
0x8d: {  	s2 =	sadd.s32 s2, s14  }
0x8e: {  	[smem:$0x3FC6] =	sst s2  }
0x8f: {  	_ = 	snop  }
0x90: {  	s2 =	sld [smem:$0x3FD0];
	_ =	sdelay $0x2  }
0x91: {  	s15 =	simm.s32 $0xA;
	s4 =	simm.s32 $0x10  }
0x92: {  	[smem:s4], [sflag:s15] =	dma.local [hbm:s2], $0x1  }
0x93: {  	_ =	swait.eq [sflag:s15], $0x1  }
0x94: {  	[sflag:s15] =	ssyncset.done $0x0  }
0x95: {  	s16 =	sld [smem:$0x10];
	[sflag:s15] =	ssyncadd.s32 $0xFFFFFFFF  }
0x96: {  	s17 =	sld [smem:$0x11];
	(tm) =	ssettm $0x1  }
0x97: {  	s18 =	sld [smem:$0x3FFB];
	_ =	sdelay $0x3  }
0x98: {  	_ =	strace s18  }
0x99: {  	s4 =	sld [smem:$0x3FFC];
	_ =	sdelay $0x3  }
0x9a: {  	_ =	strace s4  }
0x9b: {  	s4 =	sld [smem:$0x3FFD];
	_ =	sdelay $0x3  }
0x9c: {  	_ =	strace s4  }
0x9d: {  	_ =	strace $0x8FFFFFFF  }
0x9e: {  	s19 =	sld [smem:$0x3FDB];
	_ =	sdelay $0x1  }
0x9f: {  	s5 =	simm.s32 $_scs_section_size  }
0xa0: {  	s6 =	simm.s32 $_size__tile_overlayer_lowered;
	s7 =	simm.s32 $_tile_overlayer_lowered  }
0xa1: {  	s22 =	simm.s32 $0x1BFF;
	s21 =	sshll.u32 s7, $0x1;
	s4 =	sadd.s32 s5, s19  }
0xa2: {  	s8 =	simm.s32 $0x0;
	s20 =	sshll.u32 s6, $0x1;
	s6 =	sadd.s32 s21, s4  }
0xa3: {  	[timem:s8], [sflag:s22] =	dma.local [hbm:s6], s20  }
0xa4: {  	_ =	swait.ge [sflag:s22], s20  }
0xa5: {  	s5 =	ssub.s32 $0x0, s20;
	[sflag:s22] =	ssyncset.done $0x0  }
0xa6: {  	[sflag:s22] =	ssyncadd.s32 s5;
	_ =	sdelay $0x1  }
0xa7: {  	s23 =	simm.s32 $0x1B8B  }
0xa8: {  	_ =	swait.ge [sflag:s23], $0x1  }
0xa9: {  	[sflag:s23] =	ssyncset.done $0x0  }
0xaa: {  	s25 =	simm.s32 $0x1B8E;
	s24 =	sld [smem:$0x3FFE];
	[sflag:s23] =	ssyncadd.s32 $0xFFFFFFFF  }
0xab: {  	s26 =	simm.s32 $execute0_lowered;
	[smem:$0x3FD2] =	sst s25  }
0xac: {  	s6 =	sshll.u32 s26, $0x1;
	_ =	strace $0x80000046;
	[dreg:$0x1] =	wrdreg $0xFFFFFFFF  }
0xad: {  	s28 =	simm.s32 $_size_execute0_lowered;
	s4 =	sadd.s32 s4, s6;
	[dreg:$0x0] =	wrdreg $0x0  }
0xae: {  	s6 =	sshll.u32 s28, $0x1;
	[dreg:$0x2] =	wrdreg s4  }
0xaf: {  	[dreg:$0x3] =	wrdreg s6  }
0xb0: {  	[dreg:$0x4] =	wrdreg $0xC0  }
0xb1: {  	_ =	task [dreg:s8], $0x5FFFF  }
0xb2: {  	[dreg:$0x1] =	wrdreg $0xFFFFFFFF  }
0xb3: {  	[dreg:$0x0] =	wrdreg $0x60  }
0xb4: {  	[dreg:$0x2] =	wrdreg s17  }
0xb5: {  	[dreg:$0x3] =	wrdreg s16  }
0xb6: {  	[dreg:$0x4] =	wrdreg s24  }
0xb7: {  	[dreg:$0x5] =	wrdreg $0x9  }
0xb8: {  	_ =	task.clear_ibuf [dreg:s8], $0x6FFFF;
	_ =	strace $0x90000046  }
0xb9: {  	s29 =	simm.s32 $0x9;
	_ =	strace $0x80000048  }
0xba: {  	_ =	swait.ge [sflag:s29], $0x1  }
0xbb: {  	[sflag:s29] =	ssyncadd.s32 $0xFFFFFFFF  }
0xbc: {  	_ =	strace $0x90000048  }
0xbd: {  	_ =	sfence  }
0xbe: {  	s30 =	sld [smem:$0x0];
	_ =	sdelay $0x2  }
0xbf: {  	s31 =	sshll.u32 s1, $0xD;
	s1 =	sshrl.u32 s1, $0x2  }
0xc0: {  	s3 =	sand.u32 $0x4000, s31;
	s1 =	sadd.s32 s1, s30  }
0xc1: {  	s0 =	sor.u32 s3, s0;
	s1 =	sshll.u32 s1, $0x11  }
0xc2: {  	s0 =	sor.u32 s1, s0  }
0xc3: {  	s0 =	sadd.s32 $0x8F2B, s0  }
0xc4: {  	[sflag:s0] =	ssyncadd.remote.s32 $0x1  }
0xc5: {  	_ =	sfence.sel $0xFFFF  }
0xc6: {  	[dreg:$0x0] =	wrdreg $0xFFFFFFFF;
	(pc) =	sbr.abs _section_cstart, $3  }
0xc7: {  	[dreg:$0x1] =	wrdreg $0xFFFFFFFF  }
0xc8: {  	_ =	task.clear_ibuf [dreg:s8], $0x2FFFF;
	_ =	strace $0x9FFFFFFF  }
0xc9: {  	(tm) =	ssettm $0x7FFFFFFF  }
tec
execute0_lowered:
.L_overlay_start_1:
0x0: {  	(tag) =	ssettag $0x1  }
0x1: {  	v0 =	vimm.s32 $0x2380;
	vm0 =	vcmask $0x300  }
0x2: {  	vm14 =	vcmask $0x704;
	v0 =	vsel vm0, $0x0, v0  }
0x3: {  	vm15 =	vcmask $0xB08;
	v0 =	vsel vm14, $0x80, v0  }
0x4: {  	vm4 =	vcmask $0xF0C;
	v0 =	vsel vm15, $0x100, v0  }
0x5: {  	s3 =	rddreg [dreg:$0x0];
	vm5 =	vcmask $0x1310;
	v0 =	vsel vm4, $0x180, v0  }
0x6: {  	s4 =	rddreg [dreg:$0x1];
	vm6 =	vcmask $0x1714;
	v0 =	vsel vm5, $0x200, v0  }
0x7: {  	s5 =	rddreg [dreg:$0x2];
	vm7 =	vcmask $0x1B18;
	v0 =	vsel vm6, $0x280, v0  }
0x8: {  	s0 =	rddreg [dreg:$0x3];
	vm8 =	vcmask $0x1F1C;
	v0 =	vsel vm7, $0x300, v0  }
0x9: {  	s2 =	simm.s32 $0x0;
	s1 =	stileid.u32;
	s6 =	srdreg.scid;
	vm9 =	vcmask $0x2320;
	v0 =	vsel vm8, $0x380, v0  }
0xa: {  	vm10 =	vcmask $0x2724;
	[smem:$0x7FF] =	sst s2;
	s7 =	sshll.u32 s1, $0xF;
	s6 =	sand.u32 $0x1, s6;
	v0 =	vsel vm9, $0x2000, v0  }
0xb: {  	vm11 =	vcmask $0x2B28;
	s9 =	sshll.u32 s1, $0xC;
	_ =	strace $0x80000047;
	s5 =	sadd.s32 s7, s5;
	v0 =	vsel vm10, $0x2080, v0  }
0xc: {  	vm12 =	vcmask $0x2F2C;
	s30 =	ssub.s32 $0x2, s6;
	s10 =	sshll.u32 s6, $0xB;
	s6 =	sshll.u32 s6, $0xE;
	v0 =	vsel vm11, $0x2100, v0  }
0xd: {  	vm13 =	vcmask $0x3330;
	s8 =	sshrl.u32 s30, $0x1;
	s31 =	sor.u32 s10, s9;
	s6 =	sadd.s32 s6, s5;
	v0 =	vsel vm12, $0x2180, v0  }
0xe: {  	vm14 =	vcmask $0x3734;
	s9 =	simm.s32 $0x8000;
	s10 =	simm.s32 $0x0;
	s7 =	ssub.s32 s30, s8;
	v0 =	vsel vm13, $0x2200, v0  }
0xf: {  	v1 =	vlaneseq.u32;
	vm15 =	vcmask $0x3B38;
	s3 =	sadd.s32 s3, s31;
	s4 =	sadd.s32 s4, s31;
	s6 =	sadd.s32 $0x800, s6;
	v2 =	vsel vm14, $0x2280, v0  }
0x10: {  	v1 =	vmul.u32 $0x80, v1;
	s8 =	simm.s32 $0x4000;
	s5 =	smax.u32 s7, $0x1;
	s7 =	simm.s32 $0x1;
	v0 =	vimm.f32 $0.0e+00;
	v2 =	vsel vm15, $0x2300, v2  }
.LBB2_1:
0x11: {  	[tilespmem:s2], [sflag:$0x1] =	stream.linear.gather [hbm4b:s3+s2], $0x4000, $0x38;
	[tilespmem:$0xC000] =	vst v63  }
0x12: {  	_ =	swait.ge [sflag:s7], $0x4000  }
0x13: {  	[sflag:s7] =	ssyncset.done $0x0  }
0x14: {  	[sflag:s7] =	ssyncadd.s32 $0xFFFFC000  }
0x15: {  	[tilespmem:s8], [sflag:$0x1] =	stream.linear.gather [hbm4b:s4+s2], $0x4000, $0x38;
	[tilespmem:$0xC000] =	vst v63  }
0x16: {  	_ =	swait.ge [sflag:s7], $0x4000  }
0x17: {  	[sflag:s7] =	ssyncset.done $0x0  }
0x18: {  	s11 =	simm.s32 $0x0;
	[sflag:s7] =	ssyncadd.s32 $0xFFFFC000  }
.LBB2_2:
0x19: {  	s12 =	sshll.u32 s11, $0xA;
	s13 =	sshll.u32 s11, $0x7  }
0x1a: {  	s12 =	sand.u32 $0x2000, s12;
	s13 =	sand.u32 $0x380, s13  }
0x1b: {  	s12 =	sor.u32 s13, s12;
	s13 =	simm.s32 $0x0  }
0x1c: {  	s12 =	sor.u32 $0x8000, s12;
	s14 =	sand.u32 $0x1C00, s13  }
0x1d: {  	s15 =	sand.u32 $0x78, s13;
	s16 =	sadd.s32 s14, s12  }
0x1e: {  	s14 =	simm.s32 $0x80;
	s15 =	sadd.s32 s15, s16  }
.LBB2_3:
0x1f: {  	p0 =	sne.s32 s14, $0x1E80  }
0x20: {  	[tilespmem:s15+$0x0] =	vst v0;
	s13 =	sadd.s32 $0x10, s13;
	s15 =	smov.u32 s14;
	s14 =	sadd.s32 $0x80, s14  }
.Ltmp0:
0x21: {  	(pc) =	sbr.rel @p0 .LBB2_3-.Ltmp0, $4  }
0x22: {  	_ = 	snop  }
0x23: {  	s15 =	sand.u32 $0x1C00, s15  }
0x24: {  	s16 =	sand.u32 $0x78, s13;
	s15 =	sadd.s32 s15, s12  }
0x25: {  	s15 =	sadd.s32 s16, s15  }
0x26: {  	s11 =	sadd.s32 $0x1, s11  }
0x27: {  	p0 =	sne.s32 s11, $0x10  }
.Ltmp1:
0x28: {  	_ = 	snop;
	(pc) =	sbr.rel @p0 .LBB2_2-.Ltmp1, $3  }
0x29: {  	_ =	sdelay $0x1  }
0x2a: {  	[tilespmem:s15+$0x0] =	vst v0  }
0x2b: {  	[tilespmem:s12+$0x1C58] =	vst v0  }
0x2c: {  	s11 =	simm.s32 $0x0;
	s12 =	smov.u32 s6  }
.LBB2_6:
0x2d: {  	v3 =	vmov s11  }
0x2e: {  	v3 =	vshll.u32 v3, $0x7  }
0x2f: {  	v3 =	vor.u32 v1, v3;
	_ =	sdelay $0x4  }
0x30: {  	v4 =	vld.idx.msk [tilespmem:v3+s8+$0x0], $0xffff;
	_ =	sdelay $0x4  }
0x31: {  	v5 =	vshll.u32 v4, $0x3  }
0x32: {  	v4 =	vand.u32 $0x7F, v4;
	v5 =	vand.u32 $0xFFFFFC00, v5  }
0x33: {  	v4 =	vor.u32 v4, v5  }
0x34: {  	v29 =	vld.idx.msk [tilespmem:v3+s2+$0x0], $0xffff;
	v4 =	vadd.s32 v2, v4  }
0x35: {  	v6 =	vor.u32 $0x1, v3;
	_ =	sdelay $0x3  }
0x36: {  	[tilespmem:v4+s9+$0x0] =	vst.idx.add.f32.msk $0xffff, v29  }
0x37: {  	v4 =	vld.idx.msk [tilespmem:v6+s8+$0x0], $0xffff;
	_ =	sdelay $0x4  }
0x38: {  	v30 =	vshll.u32 v4, $0x3  }
0x39: {  	v4 =	vand.u32 $0x7F, v4;
	v5 =	vand.u32 $0xFFFFFC00, v30  }
0x3a: {  	v4 =	vor.u32 v4, v5  }
0x3b: {  	v31 =	vld.idx.msk [tilespmem:v6+s2+$0x0], $0xffff;
	v4 =	vadd.s32 v2, v4  }
0x3c: {  	v7 =	vor.u32 $0x2, v3;
	_ =	sdelay $0x3  }
0x3d: {  	[tilespmem:v4+s9+$0x0] =	vst.idx.add.f32.msk $0xffff, v31  }
0x3e: {  	v4 =	vld.idx.msk [tilespmem:v7+s8+$0x0], $0xffff;
	_ =	sdelay $0x4  }
0x3f: {  	v32 =	vshll.u32 v4, $0x3  }
0x40: {  	v4 =	vand.u32 $0x7F, v4;
	v5 =	vand.u32 $0xFFFFFC00, v32  }
0x41: {  	v4 =	vor.u32 v4, v5  }
0x42: {  	v33 =	vld.idx.msk [tilespmem:v7+s2+$0x0], $0xffff;
	v4 =	vadd.s32 v2, v4  }
0x43: {  	v8 =	vor.u32 $0x3, v3;
	_ =	sdelay $0x3  }
0x44: {  	[tilespmem:v4+s9+$0x0] =	vst.idx.add.f32.msk $0xffff, v33  }
0x45: {  	v4 =	vld.idx.msk [tilespmem:v8+s8+$0x0], $0xffff;
	_ =	sdelay $0x4  }
0x46: {  	v34 =	vshll.u32 v4, $0x3  }
0x47: {  	v4 =	vand.u32 $0x7F, v4;
	v5 =	vand.u32 $0xFFFFFC00, v34  }
0x48: {  	v4 =	vor.u32 v4, v5  }
0x49: {  	v35 =	vld.idx.msk [tilespmem:v8+s2+$0x0], $0xffff;
	v4 =	vadd.s32 v2, v4  }
0x4a: {  	v9 =	vor.u32 $0x4, v3;
	_ =	sdelay $0x3  }
0x4b: {  	[tilespmem:v4+s9+$0x0] =	vst.idx.add.f32.msk $0xffff, v35  }
0x4c: {  	v4 =	vld.idx.msk [tilespmem:v9+s8+$0x0], $0xffff;
	_ =	sdelay $0x4  }
0x4d: {  	v36 =	vshll.u32 v4, $0x3  }
0x4e: {  	v4 =	vand.u32 $0x7F, v4;
	v5 =	vand.u32 $0xFFFFFC00, v36  }
0x4f: {  	v4 =	vor.u32 v4, v5  }
0x50: {  	v37 =	vld.idx.msk [tilespmem:v9+s2+$0x0], $0xffff;
	v4 =	vadd.s32 v2, v4  }
0x51: {  	v10 =	vor.u32 $0x5, v3;
	_ =	sdelay $0x3  }
0x52: {  	[tilespmem:v4+s9+$0x0] =	vst.idx.add.f32.msk $0xffff, v37  }
0x53: {  	v4 =	vld.idx.msk [tilespmem:v10+s8+$0x0], $0xffff;
	_ =	sdelay $0x4  }
0x54: {  	v38 =	vshll.u32 v4, $0x3  }
0x55: {  	v4 =	vand.u32 $0x7F, v4;
	v5 =	vand.u32 $0xFFFFFC00, v38  }
0x56: {  	v4 =	vor.u32 v4, v5  }
0x57: {  	v39 =	vld.idx.msk [tilespmem:v10+s2+$0x0], $0xffff;
	v4 =	vadd.s32 v2, v4  }
0x58: {  	v11 =	vor.u32 $0x6, v3;
	_ =	sdelay $0x3  }
0x59: {  	[tilespmem:v4+s9+$0x0] =	vst.idx.add.f32.msk $0xffff, v39  }
0x5a: {  	v4 =	vld.idx.msk [tilespmem:v11+s8+$0x0], $0xffff;
	_ =	sdelay $0x4  }
0x5b: {  	v40 =	vshll.u32 v4, $0x3  }
0x5c: {  	v4 =	vand.u32 $0x7F, v4;
	v5 =	vand.u32 $0xFFFFFC00, v40  }
0x5d: {  	v4 =	vor.u32 v4, v5  }
0x5e: {  	v41 =	vld.idx.msk [tilespmem:v11+s2+$0x0], $0xffff;
	v4 =	vadd.s32 v2, v4  }
0x5f: {  	v12 =	vor.u32 $0x7, v3;
	_ =	sdelay $0x3  }
0x60: {  	[tilespmem:v4+s9+$0x0] =	vst.idx.add.f32.msk $0xffff, v41  }
0x61: {  	v4 =	vld.idx.msk [tilespmem:v12+s8+$0x0], $0xffff;
	_ =	sdelay $0x4  }
0x62: {  	v42 =	vshll.u32 v4, $0x3  }
0x63: {  	v4 =	vand.u32 $0x7F, v4;
	v5 =	vand.u32 $0xFFFFFC00, v42  }
0x64: {  	v4 =	vor.u32 v4, v5  }
0x65: {  	v43 =	vld.idx.msk [tilespmem:v12+s2+$0x0], $0xffff;
	v4 =	vadd.s32 v2, v4  }
0x66: {  	v13 =	vor.u32 $0x8, v3;
	_ =	sdelay $0x3  }
0x67: {  	[tilespmem:v4+s9+$0x0] =	vst.idx.add.f32.msk $0xffff, v43  }
0x68: {  	v4 =	vld.idx.msk [tilespmem:v13+s8+$0x0], $0xffff;
	_ =	sdelay $0x4  }
0x69: {  	v44 =	vshll.u32 v4, $0x3  }
0x6a: {  	v4 =	vand.u32 $0x7F, v4;
	v5 =	vand.u32 $0xFFFFFC00, v44  }
0x6b: {  	v4 =	vor.u32 v4, v5  }
0x6c: {  	v45 =	vld.idx.msk [tilespmem:v13+s2+$0x0], $0xffff;
	v4 =	vadd.s32 v2, v4  }
0x6d: {  	v14 =	vor.u32 $0x9, v3;
	_ =	sdelay $0x3  }
0x6e: {  	[tilespmem:v4+s9+$0x0] =	vst.idx.add.f32.msk $0xffff, v45  }
0x6f: {  	v4 =	vld.idx.msk [tilespmem:v14+s8+$0x0], $0xffff;
	_ =	sdelay $0x4  }
0x70: {  	v46 =	vshll.u32 v4, $0x3  }
0x71: {  	v4 =	vand.u32 $0x7F, v4;
	v5 =	vand.u32 $0xFFFFFC00, v46  }
0x72: {  	v4 =	vor.u32 v4, v5  }
0x73: {  	v47 =	vld.idx.msk [tilespmem:v14+s2+$0x0], $0xffff;
	v4 =	vadd.s32 v2, v4  }
0x74: {  	v15 =	vor.u32 $0xA, v3;
	_ =	sdelay $0x3  }
0x75: {  	[tilespmem:v4+s9+$0x0] =	vst.idx.add.f32.msk $0xffff, v47  }
0x76: {  	v4 =	vld.idx.msk [tilespmem:v15+s8+$0x0], $0xffff;
	_ =	sdelay $0x4  }
0x77: {  	v48 =	vshll.u32 v4, $0x3  }
0x78: {  	v4 =	vand.u32 $0x7F, v4;
	v5 =	vand.u32 $0xFFFFFC00, v48  }
0x79: {  	v4 =	vor.u32 v4, v5  }
0x7a: {  	v49 =	vld.idx.msk [tilespmem:v15+s2+$0x0], $0xffff;
	v4 =	vadd.s32 v2, v4  }
0x7b: {  	v16 =	vor.u32 $0xB, v3;
	_ =	sdelay $0x3  }
0x7c: {  	[tilespmem:v4+s9+$0x0] =	vst.idx.add.f32.msk $0xffff, v49  }
0x7d: {  	v4 =	vld.idx.msk [tilespmem:v16+s8+$0x0], $0xffff;
	_ =	sdelay $0x4  }
0x7e: {  	v50 =	vshll.u32 v4, $0x3  }
0x7f: {  	v4 =	vand.u32 $0x7F, v4;
	v5 =	vand.u32 $0xFFFFFC00, v50  }
0x80: {  	v4 =	vor.u32 v4, v5  }
0x81: {  	v51 =	vld.idx.msk [tilespmem:v16+s2+$0x0], $0xffff;
	v4 =	vadd.s32 v2, v4;
	_ =	sdelay $0x4  }
0x82: {  	[tilespmem:v4+s9+$0x0] =	vst.idx.add.f32.msk $0xffff, v51  }
0x83: {  	[hbm4b:s12+s2] =	stream.linear.scatter [tilespmem:s9], [sflag:$0x1], $0x4000, $0x38;
	[tilespmem:$0xC000] =	vst v63  }
0x84: {  	_ =	swait.ge [sflag:s7], $0x4000  }
0x85: {  	[sflag:s7] =	ssyncset.done $0x0  }
0x86: {  	[sflag:s7] =	ssyncadd.s32 $0xFFFFC000  }
0x87: {  	v3 =	vld.idx.msk [tilespmem:v3+s8+$0x0], $0xffff;
	_ =	sdelay $0x4  }
0x88: {  	v52 =	vshll.u32 v3, $0x3  }
0x89: {  	v3 =	vand.u32 $0x7F, v3;
	v4 =	vand.u32 $0xFFFFFC00, v52  }
0x8a: {  	v3 =	vor.u32 v3, v4  }
0x8b: {  	v3 =	vadd.s32 v2, v3;
	_ =	sdelay $0x4  }
0x8c: {  	[tilespmem:v3+s9+$0x0] =	vst.idx.msk $0xffff, v0  }
0x8d: {  	v3 =	vld.idx.msk [tilespmem:v6+s8+$0x0], $0xffff;
	_ =	sdelay $0x4  }
0x8e: {  	v53 =	vshll.u32 v3, $0x3  }
0x8f: {  	v3 =	vand.u32 $0x7F, v3;
	v4 =	vand.u32 $0xFFFFFC00, v53  }
0x90: {  	v3 =	vor.u32 v3, v4  }
0x91: {  	v3 =	vadd.s32 v2, v3;
	_ =	sdelay $0x4  }
0x92: {  	[tilespmem:v3+s9+$0x0] =	vst.idx.msk $0xffff, v0  }
0x93: {  	v3 =	vld.idx.msk [tilespmem:v7+s8+$0x0], $0xffff;
	_ =	sdelay $0x4  }
0x94: {  	v54 =	vshll.u32 v3, $0x3  }
0x95: {  	v3 =	vand.u32 $0x7F, v3;
	v4 =	vand.u32 $0xFFFFFC00, v54  }
0x96: {  	v3 =	vor.u32 v3, v4  }
0x97: {  	v3 =	vadd.s32 v2, v3;
	_ =	sdelay $0x4  }
0x98: {  	[tilespmem:v3+s9+$0x0] =	vst.idx.msk $0xffff, v0  }
0x99: {  	v3 =	vld.idx.msk [tilespmem:v8+s8+$0x0], $0xffff;
	_ =	sdelay $0x4  }
0x9a: {  	v55 =	vshll.u32 v3, $0x3  }
0x9b: {  	v3 =	vand.u32 $0x7F, v3;
	v4 =	vand.u32 $0xFFFFFC00, v55  }
0x9c: {  	v3 =	vor.u32 v3, v4  }
0x9d: {  	v3 =	vadd.s32 v2, v3;
	_ =	sdelay $0x4  }
0x9e: {  	[tilespmem:v3+s9+$0x0] =	vst.idx.msk $0xffff, v0  }
0x9f: {  	v3 =	vld.idx.msk [tilespmem:v9+s8+$0x0], $0xffff;
	_ =	sdelay $0x4  }
0xa0: {  	v56 =	vshll.u32 v3, $0x3  }
0xa1: {  	v3 =	vand.u32 $0x7F, v3;
	v4 =	vand.u32 $0xFFFFFC00, v56  }
0xa2: {  	v3 =	vor.u32 v3, v4  }
0xa3: {  	v3 =	vadd.s32 v2, v3;
	_ =	sdelay $0x4  }
0xa4: {  	[tilespmem:v3+s9+$0x0] =	vst.idx.msk $0xffff, v0  }
0xa5: {  	v3 =	vld.idx.msk [tilespmem:v10+s8+$0x0], $0xffff;
	_ =	sdelay $0x4  }
0xa6: {  	v57 =	vshll.u32 v3, $0x3  }
0xa7: {  	v3 =	vand.u32 $0x7F, v3;
	v4 =	vand.u32 $0xFFFFFC00, v57  }
0xa8: {  	v3 =	vor.u32 v3, v4  }
0xa9: {  	v3 =	vadd.s32 v2, v3;
	_ =	sdelay $0x4  }
0xaa: {  	[tilespmem:v3+s9+$0x0] =	vst.idx.msk $0xffff, v0  }
0xab: {  	v3 =	vld.idx.msk [tilespmem:v11+s8+$0x0], $0xffff;
	_ =	sdelay $0x4  }
0xac: {  	v58 =	vshll.u32 v3, $0x3  }
0xad: {  	v3 =	vand.u32 $0x7F, v3;
	v4 =	vand.u32 $0xFFFFFC00, v58  }
0xae: {  	v3 =	vor.u32 v3, v4  }
0xaf: {  	v3 =	vadd.s32 v2, v3;
	_ =	sdelay $0x4  }
0xb0: {  	[tilespmem:v3+s9+$0x0] =	vst.idx.msk $0xffff, v0  }
0xb1: {  	v3 =	vld.idx.msk [tilespmem:v12+s8+$0x0], $0xffff;
	_ =	sdelay $0x4  }
0xb2: {  	v59 =	vshll.u32 v3, $0x3  }
0xb3: {  	v3 =	vand.u32 $0x7F, v3;
	v4 =	vand.u32 $0xFFFFFC00, v59  }
0xb4: {  	v3 =	vor.u32 v3, v4  }
0xb5: {  	v3 =	vadd.s32 v2, v3;
	_ =	sdelay $0x4  }
0xb6: {  	[tilespmem:v3+s9+$0x0] =	vst.idx.msk $0xffff, v0  }
0xb7: {  	v3 =	vld.idx.msk [tilespmem:v13+s8+$0x0], $0xffff;
	_ =	sdelay $0x4  }
0xb8: {  	v60 =	vshll.u32 v3, $0x3  }
0xb9: {  	v3 =	vand.u32 $0x7F, v3;
	v4 =	vand.u32 $0xFFFFFC00, v60  }
0xba: {  	v3 =	vor.u32 v3, v4  }
0xbb: {  	v3 =	vadd.s32 v2, v3;
	_ =	sdelay $0x4  }
0xbc: {  	[tilespmem:v3+s9+$0x0] =	vst.idx.msk $0xffff, v0  }
0xbd: {  	v3 =	vld.idx.msk [tilespmem:v14+s8+$0x0], $0xffff;
	_ =	sdelay $0x4  }
0xbe: {  	v61 =	vshll.u32 v3, $0x3  }
0xbf: {  	v3 =	vand.u32 $0x7F, v3;
	v4 =	vand.u32 $0xFFFFFC00, v61  }
0xc0: {  	v3 =	vor.u32 v3, v4  }
0xc1: {  	v3 =	vadd.s32 v2, v3;
	_ =	sdelay $0x4  }
0xc2: {  	[tilespmem:v3+s9+$0x0] =	vst.idx.msk $0xffff, v0  }
0xc3: {  	v3 =	vld.idx.msk [tilespmem:v15+s8+$0x0], $0xffff;
	_ =	sdelay $0x4  }
0xc4: {  	v62 =	vshll.u32 v3, $0x3  }
0xc5: {  	v3 =	vand.u32 $0x7F, v3;
	v4 =	vand.u32 $0xFFFFFC00, v62  }
0xc6: {  	v3 =	vor.u32 v3, v4  }
0xc7: {  	v3 =	vadd.s32 v2, v3;
	_ =	sdelay $0x4  }
0xc8: {  	[tilespmem:v3+s9+$0x0] =	vst.idx.msk $0xffff, v0  }
0xc9: {  	v3 =	vld.idx.msk [tilespmem:v16+s8+$0x0], $0xffff;
	_ =	sdelay $0x4  }
0xca: {  	v63 =	vshll.u32 v3, $0x3  }
0xcb: {  	v3 =	vand.u32 $0x7F, v3;
	v4 =	vand.u32 $0xFFFFFC00, v63  }
0xcc: {  	v3 =	vor.u32 v3, v4  }
0xcd: {  	p0 =	sne.s32 s11, $0x70;
	v3 =	vadd.s32 v2, v3  }
.Ltmp2:
0xce: {  	_ = 	snop;
	(pc) =	sbr.rel @p0 .LBB2_6-.Ltmp2, $2  }
0xcf: {  	_ =	sdelay $0x2  }
0xd0: {  	s11 =	sadd.s32 $0x10, s11;
	s12 =	sadd.s32 $0x800, s12;
	[tilespmem:v3+s9+$0x0] =	vst.idx.msk $0xffff, v0  }
0xd1: {  	s10 =	sadd.s32 $0x1, s10  }
0xd2: {  	p0 =	sne.s32 s10, s5  }
.Ltmp3:
0xd3: {  	_ = 	snop;
	(pc) =	sbr.rel @p0 .LBB2_1-.Ltmp3, $1  }
0xd4: {  	_ =	sdelay $0x3  }
0xd5: {  	_ =	sfence.sel $0x180000  }
0xd6: {  	[bflag:$0x0] =	sbarrier.arrive $0xFFFF  }
0xd7: {  	p0 =	sne.s32 s1, $0x0;
	_ =	strace $0x90000047  }
0xd8: {  	s0 =	sadd.s32 @!p0 $0x100000, s0;
	[bflag:$0x2] =	sbarrier.arrive $0xFFFF  }
0xd9: {  	[sflag:s0] =	ssyncadd.tile.s32 @!p0 $0x1;
	_ =	shalt  }
.Lfunc_end2:
_tile_overlayer_lowered:
.L_overlay_start_2:
0xda: {  	(tag) =	ssettag $0x2  }
0xdb: {  	s0 =	rddreg [dreg:$0x0];
	s2 =	stileid.u32  }
0xdc: {  	s1 =	rddreg [dreg:$0x1];
	p0 =	sne.s32 s2, $0x0  }
0xdd: {  	s3 =	rddreg [dreg:$0x2];
	[bflag:$0x3] =	sbarrier.arrive $0xFFFF;
	s2 =	simm.s32 @!p0 $0x1C01  }
0xde: {  	[timem:s3], [sflag:s2] =	dma.local @!p0 [hbm:s0], s1  }
0xdf: {  	s0 =	simm.s32 @!p0 $0x1  }
0xe0: {  	_ =	swait.ge @!p0 [sflag:s0], s1  }
0xe1: {  	s1 =	ssub.s32 @!p0 $0x0, s1;
	[sflag:s0] =	ssyncset.done @!p0 $0x0  }
0xe2: {  	[sflag:s0] =	ssyncadd.s32 @!p0 s1  }
0xe3: {  	[bflag:$0x3] =	sbarrier.arrive $0xFFFF  }
0xe4: {  	_ =	shalt  }

</sc_bundles>
